<compile_context>
chip_gen: v7x
topology: tpu7x:2x2x1
jax: 0.10.2.dev20260603
libtpu: 0.0.44.dev20260713+nightly
codegen_flags: <defaults>
</compile_context>

<pallas_src>
import functools

import jax
import jax.numpy as jnp
import numpy as np
from jax import lax
from jax.experimental import pallas as pl
from jax.experimental.pallas import tpu as pltpu
from jax.experimental.pallas import tpu_sc as plsc

LEAKY = 0.1
K = 5
WS = 20
Q = 15876
NB = 63
BQ = 252
GW = 1240
NY = 3844
F = 72

NQK = Q * K
NCH = 4
CHUNK = 19872
NQK_PAD = NCH * CHUNK
NYP = 3848
NXP = 15880
ITEMS_PER_W = 9


def _dist_topk_body(x_ref, g_ref, s_ref, i_ref):
    b = pl.program_id(0)
    r0 = jnp.clip(b - 10, 0, 42)
    x = x_ref[0]
    g = g_ref[0]
    S = lax.dot_general(x, g, (((1,), (1,)), ((), ())),
                        preferred_element_type=jnp.float32,
                        precision=lax.Precision.HIGHEST)
    x2 = jnp.sum(x * x, axis=1, keepdims=True)
    ones_r = jnp.ones((1, F), jnp.float32)
    g2 = lax.dot_general(ones_r, g * g, (((1,), (1,)), ((), ())),
                         preferred_element_type=jnp.float32,
                         precision=lax.Precision.HIGHEST)
    dist = x2 - 2.0 * S + g2

    col = lax.broadcasted_iota(jnp.int32, (BQ, GW), 1)
    c_of = col % 62
    row = lax.broadcasted_iota(jnp.int32, (BQ, 1), 0)
    qj = row % 126
    c0 = jnp.clip(qj // 2 - 10, 0, 42)
    dc = c_of - c0
    inf = jnp.float32(np.inf)
    dist = jnp.where((dc >= 0) & (dc < WS), dist, inf)

    base = r0 * 62
    for k in range(K):
        m = jnp.min(dist, axis=1, keepdims=True)
        lidx = jnp.min(jnp.where(dist == m, col, 1 << 30),
                       axis=1, keepdims=True)
        s_ref[0, :, k:k + 1] = -m
        i_ref[0, :, k:k + 1] = lidx + base
        dist = jnp.where(col == lidx, inf, dist)


def _dist_topk(xp3, ypwin, interpret=False):
    return pl.pallas_call(
        _dist_topk_body,
        grid=(NB,),
        in_specs=[
            pl.BlockSpec((1, BQ, F), lambda b: (b, 0, 0)),
            pl.BlockSpec((1, GW, F), lambda b: (b, 0, 0)),
        ],
        out_specs=[
            pl.BlockSpec((1, BQ, K), lambda b: (b, 0, 0)),
            pl.BlockSpec((1, BQ, K), lambda b: (b, 0, 0)),
        ],
        out_shape=[
            jax.ShapeDtypeStruct((NB, BQ, K), jnp.float32),
            jax.ShapeDtypeStruct((NB, BQ, K), jnp.int32),
        ],
        interpret=interpret,
    )(xp3, ypwin)


def _sc_diff(ypf, xpf, idxc, qidxc):
    mesh = plsc.VectorSubcoreMesh(core_axis_name="c", subcore_axis_name="s")

    @functools.partial(
        pl.kernel,
        mesh=mesh,
        compiler_params=pltpu.CompilerParams(needs_layout_passes=False),
        out_type=jax.ShapeDtypeStruct((F, NCH, CHUNK), jnp.float32),
        scratch_types=[
            pltpu.VMEM((NYP,), jnp.float32),
            pltpu.VMEM((NXP,), jnp.float32),
            pltpu.VMEM((CHUNK,), jnp.int32),
            pltpu.VMEM((CHUNK,), jnp.int32),
            pltpu.VMEM((CHUNK,), jnp.float32),
        ],
    )
    def k(ypf_hbm, xpf_hbm, idx_hbm, qidx_hbm, out_hbm,
          yrow_v, xrow_v, idx_v, qidx_v, out_v):
        wid = lax.axis_index("s") * 2 + lax.axis_index("c")

        def item_body(t, carry):
            item = wid * ITEMS_PER_W + t
            f = item // NCH
            j = item % NCH
            pltpu.sync_copy(ypf_hbm.at[f], yrow_v)
            pltpu.sync_copy(xpf_hbm.at[f], xrow_v)
            pltpu.sync_copy(idx_hbm.at[j], idx_v)
            pltpu.sync_copy(qidx_hbm.at[j], qidx_v)

            def vec_body(i, c):
                iv = idx_v[pl.ds(i * 16, 16)]
                yv = plsc.load_gather(yrow_v, [iv])
                qv = qidx_v[pl.ds(i * 16, 16)]
                xv = plsc.load_gather(xrow_v, [qv])
                out_v[pl.ds(i * 16, 16)] = xv - yv
                return c

            lax.fori_loop(0, CHUNK // 16, vec_body, 0)
            pltpu.sync_copy(out_v, out_hbm.at[f, j])
            return carry

        lax.fori_loop(0, ITEMS_PER_W, item_body, 0)

    return k(ypf, xpf, idxc, qidxc)


def _lrelu(v):
    return jnp.where(v >= 0, v, LEAKY * v)


def _conv2d(v, w, b):
    o = lax.conv_general_dilated(v, w, (1, 1), 'SAME',
                                 dimension_numbers=('NCHW', 'OIHW', 'NCHW'))
    return o + b[None, :, None, None]


def kernel(x, y, W1, b1, W2, b2, W3, b3):
    def emb(img):
        h = _lrelu(_conv2d(img, W1, b1))
        h = _lrelu(_conv2d(h, W2, b2))
        h = _lrelu(_conv2d(h, W3, b3))
        return h

    xe4 = emb(x)
    ye4 = emb(y)
    xpT = lax.conv_general_dilated_patches(
        xe4, (3, 3), (1, 1), 'VALID').reshape(F, Q).T
    ypT = lax.conv_general_dilated_patches(
        ye4, (3, 3), (1, 1), 'VALID').reshape(F, NY).T

    r0s = jnp.clip(jnp.arange(NB) - 10, 0, 42)
    rows = r0s[:, None] * 62 + jnp.arange(GW)[None, :]
    ypwin = ypT[rows]

    score, idx = _dist_topk(xpT.reshape(NB, BQ, F), ypwin)
    score = score.reshape(Q, K)
    idx = idx.reshape(Q, K)

    ypf = jnp.zeros((F, NYP), jnp.float32).at[:, :NY].set(ypT.T)
    xpf = jnp.zeros((F, NXP), jnp.float32).at[:, :Q].set(xpT.T)
    idxc = jnp.zeros((NQK_PAD,), jnp.int32).at[:NQK].set(
        idx.reshape(-1)).reshape(NCH, CHUNK)
    qidxc = jnp.minimum(jnp.arange(NQK_PAD, dtype=jnp.int32) // K,
                        Q - 1).reshape(NCH, CHUNK)
    diff = _sc_diff(ypf, xpf, idxc, qidxc)
    diff = diff.reshape(F, NQK_PAD)[:, :NQK].reshape(1, F, Q, K)

    return score[None], idx[None], diff

# --- scband reference (transcript-rebuilt; emitter-appended) ---
"""Pipeline reference for scband-graph-58583353917701 (READ-ONLY COPY).

The authoritative reference and input builder live on the scoring server;
editing this copy changes nothing except your own understanding.
"""

import jax, jax.numpy as jnp
import numpy as np

LEAKY = 0.1
SCALE = 2
K = 5
PATCH = 3
WS = 20

def lrelu(x):
    return jnp.where(x >= 0, x, LEAKY * x)

def conv2d(x, w, b):
    y = jax.lax.conv_general_dilated(x, w, (1, 1), 'SAME', dimension_numbers=('NCHW', 'OIHW', 'NCHW'))
    return y + b[None, :, None, None]

def embed(x, W1, b1, W2, b2, W3, b3):
    h = lrelu(conv2d(x, W1, b1))
    h = lrelu(conv2d(h, W2, b2))
    h = lrelu(conv2d(h, W3, b3))
    return h

def extract_patches(f, p):
    B, C, H, W = f.shape
    pt = jax.lax.conv_general_dilated_patches(f, (p, p), (1, 1), 'VALID')
    return pt.reshape(B, C * p * p, -1), H - p + 1, W - p + 1

def setup_inputs(seed: int = 0):
    key = jax.random.key(seed)
    ks = jax.random.split(key, 8)
    x = jax.random.normal(ks[0], (1, 256, 128, 128), jnp.float32)
    y = jax.random.normal(ks[1], (1, 256, 64, 64), jnp.float32)
    W1 = (jax.random.normal(ks[2], (64, 256, 3, 3), jnp.float32) * (1.0 / np.sqrt(256 * 9))).astype(jnp.float32)
    b1 = jnp.zeros((64,), jnp.float32)
    W2 = (jax.random.normal(ks[3], (64, 64, 3, 3), jnp.float32) * (1.0 / np.sqrt(64 * 9))).astype(jnp.float32)
    b2 = jnp.zeros((64,), jnp.float32)
    W3 = (jax.random.normal(ks[4], (8, 64, 3, 3), jnp.float32) * (1.0 / np.sqrt(64 * 9))).astype(jnp.float32)
    b3 = jnp.zeros((8,), jnp.float32)
    return {"x": x, "y": y, "W1": W1, "b1": b1, "W2": W2, "b2": b2, "W3": W3, "b3": b3}

def graph_construct(xe, ye):
    xp, Hxp, Wxp = extract_patches(xe, PATCH)
    yp, Hyp, Wyp = extract_patches(ye, PATCH)
    B, F, Q = xp.shape
    q = jnp.arange(Q)
    qi = q // Wxp
    qj = q % Wxp
    r0 = jnp.clip(qi // SCALE - WS // 2, 0, Hyp - WS)
    c0 = jnp.clip(qj // SCALE - WS // 2, 0, Wyp - WS)

    def body(carry, w):
        dr = w // WS
        dc = w % WS
        idx = (r0 + dr) * Wyp + (c0 + dc)
        g = yp[:, :, idx]
        d = jnp.sum((xp - g) ** 2, axis=1)
        return carry, d

    _, dists = jax.lax.scan(jax.checkpoint(body), 0, jnp.arange(WS * WS))
    dist = jnp.transpose(dists, (1, 2, 0))
    score_k, widx = jax.lax.top_k(-dist, K)
    off = jnp.arange(WS * WS)
    I = (r0[:, None] + off[None, :] // WS) * Wyp + (c0[:, None] + off[None, :] % WS)
    I = jnp.broadcast_to(I[None], (B, Q, WS * WS))
    idx_k = jnp.take_along_axis(I, widx, axis=2)

    def per_b(yp_b, xp_b, ik_b):
        yg = yp_b[:, ik_b]
        return xp_b[:, :, None] - yg

    diff_patch = jax.vmap(per_b)(yp, xp, idx_k)
    return score_k, idx_k, diff_patch

def reference(x, y, W1, b1, W2, b2, W3, b3):
    xe = embed(x, W1, b1, W2, b2, W3, b3)
    ye = embed(y, W1, b1, W2, b2, W3, b3)
    return graph_construct(xe, ye)

if __name__ == "__main__":
    import jax
    _d = setup_inputs()
    print(jax.jit(kernel)(*tuple(_d.values())))

</pallas_src>

<mosaic_0001>
#map = affine_map<(d0, d1) -> (0, 0)>
#map1 = affine_map<(d0, d1) -> (0, 0, 0)>
module attributes {stable_mosaic.version = 14 : i64} {
  func.func @k(%arg0: i32, %arg1: i32, %arg2: memref<72x3848xf32, #tpu.memory_space<hbm>>, %arg3: memref<72x15880xf32, #tpu.memory_space<hbm>>, %arg4: memref<4x19872xi32, #tpu.memory_space<hbm>>, %arg5: memref<4x19872xi32, #tpu.memory_space<hbm>>, %arg6: memref<72x4x19872xf32, #tpu.memory_space<hbm>>, %arg7: memref<3848xf32, #tpu.memory_space<vmem>>, %arg8: memref<15880xf32, #tpu.memory_space<vmem>>, %arg9: memref<19872xi32, #tpu.memory_space<vmem>>, %arg10: memref<19872xi32, #tpu.memory_space<vmem>>, %arg11: memref<19872xf32, #tpu.memory_space<vmem>>) attributes {dimension_semantics = [#tpu.dimension_semantics<core_parallel>, #tpu.dimension_semantics<subcore_parallel>], iteration_bounds = array<i64: 2, 16>, scalar_prefetch = 0 : i64, scratch_operands = 5 : i64, tpu.core_type = #tpu.core_type<sc_vector_subcore>, window_params = [{transform_indices = #map}, {transform_indices = #map}, {transform_indices = #map}, {transform_indices = #map}, {transform_indices = #map1}]} {
    %mul3A = arith.constant 2 : i32
    %mul3A_0 = arith.muli %arg1, %mul3A : i32
    %add3A = arith.addi %mul3A_0, %arg0 : i32
    %scan3A = arith.constant 0 : i32
    %scan3A_1 = arith.constant 0 : i32
    %scan3A_2 = arith.constant 9 : i32
    %scan3A_3 = arith.addi %scan3A_1, %scan3A_2 : i32
    %scan3A_4 = arith.constant 1 : i32
    scf.for %scan3A_6 = %scan3A_1 to %scan3A_3 step %scan3A_4  : i32 {
      %mul3A_7 = arith.constant 9 : i32
      %mul3A_8 = arith.muli %add3A, %mul3A_7 : i32
      %add3A_9 = arith.addi %mul3A_8, %scan3A_6 : i32
      %jit3A = arith.constant 4 : i32
      %div3A = arith.divsi %add3A_9, %jit3A : i32
      %sign3A = arith.constant 0 : i32
      %sign3A_10 = arith.cmpi sgt, %add3A_9, %sign3A : i32
      %sign3A_11 = arith.extui %sign3A_10 : i1 to i32
      %sign3A_12 = arith.constant 0 : i32
      %sign3A_13 = arith.cmpi slt, %add3A_9, %sign3A_12 : i32
      %sign3A_14 = arith.extui %sign3A_13 : i1 to i32
      %sign3A_15 = arith.subi %sign3A_11, %sign3A_14 : i32
      %sign3A_16 = arith.constant 0 : i32
      %sign3A_17 = arith.cmpi sgt, %jit3A, %sign3A_16 : i32
      %sign3A_18 = arith.extui %sign3A_17 : i1 to i32
      %sign3A_19 = arith.constant 0 : i32
      %sign3A_20 = arith.cmpi slt, %jit3A, %sign3A_19 : i32
      %sign3A_21 = arith.extui %sign3A_20 : i1 to i32
      %sign3A_22 = arith.subi %sign3A_18, %sign3A_21 : i32
      %ne3A = arith.cmpi ne, %sign3A_15, %sign3A_22 : i32
      %rem3A = arith.remsi %add3A_9, %jit3A : i32
      %ne3A_23 = arith.constant 0 : i32
      %ne3A_24 = arith.cmpi ne, %rem3A, %ne3A_23 : i32
      %and3A = arith.andi %ne3A, %ne3A_24 : i1
      %sub3A = arith.constant 1 : i32
      %sub3A_25 = arith.subi %div3A, %sub3A : i32
      %select_n3A = arith.select %and3A, %sub3A_25, %div3A : i32
      %jit3A_26 = arith.constant 4 : i32
      %eq3A = arith.constant 0 : i32
      %eq3A_27 = arith.cmpi eq, %jit3A_26, %eq3A : i32
      %jit3A_28 = arith.constant 1 : i32
      %select_n3A_29 = arith.select %eq3A_27, %jit3A_28, %jit3A_26 : i32
      %rem3A_30 = arith.remsi %add3A_9, %select_n3A_29 : i32
      %ne3A_31 = arith.constant 0 : i32
      %ne3A_32 = arith.cmpi ne, %rem3A_30, %ne3A_31 : i32
      %lt3A = arith.constant 0 : i32
      %lt3A_33 = arith.cmpi slt, %rem3A_30, %lt3A : i32
      %lt3A_34 = arith.constant 0 : i32
      %lt3A_35 = arith.cmpi slt, %select_n3A_29, %lt3A_34 : i32
      %ne3A_36 = arith.xori %lt3A_33, %lt3A_35 : i1
      %and3A_37 = arith.andi %ne3A_36, %ne3A_32 : i1
      %add3A_38 = arith.addi %rem3A_30, %select_n3A_29 : i32
      %select_n3A_39 = arith.select %and3A_37, %add3A_38, %rem3A_30 : i32
      "tpu.region"() ({
        %run_scoped3A = tpu.sem_alloc : memref<!tpu.dma_semaphore, #tpu.memory_space<semaphore_mem>>
        %dma_start3A = arith.constant 0 : i32
        %dma_start3A_46 = tpu.memref_slice %arg2[%select_n3A, %dma_start3A] : memref<72x3848xf32, #tpu.memory_space<hbm>> -> memref<1x3848xf32, #tpu.memory_space<hbm>>
        %dma_start3A_47 = tpu.memref_squeeze %dma_start3A_46 : memref<1x3848xf32, #tpu.memory_space<hbm>> -> memref<3848xf32, #tpu.memory_space<hbm>>
        %dma_start3A_48 = arith.constant 0 : i32
        %dma_start3A_49 = tpu.memref_slice %arg2[%select_n3A, %dma_start3A_48] : memref<72x3848xf32, #tpu.memory_space<hbm>> -> memref<1x3848xf32, #tpu.memory_space<hbm>>
        %dma_start3A_50 = tpu.memref_squeeze %dma_start3A_49 : memref<1x3848xf32, #tpu.memory_space<hbm>> -> memref<3848xf32, #tpu.memory_space<hbm>>
        tpu.enqueue_dma source(%dma_start3A_50 : memref<3848xf32, #tpu.memory_space<hbm>>) target(%arg7 : memref<3848xf32, #tpu.memory_space<vmem>>) target_semaphore(%run_scoped3A : memref<!tpu.dma_semaphore, #tpu.memory_space<semaphore_mem>>)
        %dma_wait3A = arith.constant 0 : i32
        %dma_wait3A_51 = tpu.memref_slice %arg2[%select_n3A, %dma_wait3A] : memref<72x3848xf32, #tpu.memory_space<hbm>> -> memref<1x3848xf32, #tpu.memory_space<hbm>>
        %dma_wait3A_52 = tpu.memref_squeeze %dma_wait3A_51 : memref<1x3848xf32, #tpu.memory_space<hbm>> -> memref<3848xf32, #tpu.memory_space<hbm>>
        %dma_wait3A_53 = arith.constant 0 : i32
        %dma_wait3A_54 = tpu.memref_slice %arg2[%select_n3A, %dma_wait3A_53] : memref<72x3848xf32, #tpu.memory_space<hbm>> -> memref<1x3848xf32, #tpu.memory_space<hbm>>
        %dma_wait3A_55 = tpu.memref_squeeze %dma_wait3A_54 : memref<1x3848xf32, #tpu.memory_space<hbm>> -> memref<3848xf32, #tpu.memory_space<hbm>>
        tpu.wait_dma2 semaphore(%run_scoped3A : memref<!tpu.dma_semaphore, #tpu.memory_space<semaphore_mem>>) src(%dma_wait3A_55 : memref<3848xf32, #tpu.memory_space<hbm>>) dst(%arg7 : memref<3848xf32, #tpu.memory_space<vmem>>)
        tpu.yield
      }) : () -> ()
      "tpu.region"() ({
        %run_scoped3A = tpu.sem_alloc : memref<!tpu.dma_semaphore, #tpu.memory_space<semaphore_mem>>
        %dma_start3A = arith.constant 0 : i32
        %dma_start3A_46 = tpu.memref_slice %arg3[%select_n3A, %dma_start3A] : memref<72x15880xf32, #tpu.memory_space<hbm>> -> memref<1x15880xf32, #tpu.memory_space<hbm>>
        %dma_start3A_47 = tpu.memref_squeeze %dma_start3A_46 : memref<1x15880xf32, #tpu.memory_space<hbm>> -> memref<15880xf32, #tpu.memory_space<hbm>>
        %dma_start3A_48 = arith.constant 0 : i32
        %dma_start3A_49 = tpu.memref_slice %arg3[%select_n3A, %dma_start3A_48] : memref<72x15880xf32, #tpu.memory_space<hbm>> -> memref<1x15880xf32, #tpu.memory_space<hbm>>
        %dma_start3A_50 = tpu.memref_squeeze %dma_start3A_49 : memref<1x15880xf32, #tpu.memory_space<hbm>> -> memref<15880xf32, #tpu.memory_space<hbm>>
        tpu.enqueue_dma source(%dma_start3A_50 : memref<15880xf32, #tpu.memory_space<hbm>>) target(%arg8 : memref<15880xf32, #tpu.memory_space<vmem>>) target_semaphore(%run_scoped3A : memref<!tpu.dma_semaphore, #tpu.memory_space<semaphore_mem>>)
        %dma_wait3A = arith.constant 0 : i32
        %dma_wait3A_51 = tpu.memref_slice %arg3[%select_n3A, %dma_wait3A] : memref<72x15880xf32, #tpu.memory_space<hbm>> -> memref<1x15880xf32, #tpu.memory_space<hbm>>
        %dma_wait3A_52 = tpu.memref_squeeze %dma_wait3A_51 : memref<1x15880xf32, #tpu.memory_space<hbm>> -> memref<15880xf32, #tpu.memory_space<hbm>>
        %dma_wait3A_53 = arith.constant 0 : i32
        %dma_wait3A_54 = tpu.memref_slice %arg3[%select_n3A, %dma_wait3A_53] : memref<72x15880xf32, #tpu.memory_space<hbm>> -> memref<1x15880xf32, #tpu.memory_space<hbm>>
        %dma_wait3A_55 = tpu.memref_squeeze %dma_wait3A_54 : memref<1x15880xf32, #tpu.memory_space<hbm>> -> memref<15880xf32, #tpu.memory_space<hbm>>
        tpu.wait_dma2 semaphore(%run_scoped3A : memref<!tpu.dma_semaphore, #tpu.memory_space<semaphore_mem>>) src(%dma_wait3A_55 : memref<15880xf32, #tpu.memory_space<hbm>>) dst(%arg8 : memref<15880xf32, #tpu.memory_space<vmem>>)
        tpu.yield
      }) : () -> ()
      "tpu.region"() ({
        %run_scoped3A = tpu.sem_alloc : memref<!tpu.dma_semaphore, #tpu.memory_space<semaphore_mem>>
        %dma_start3A = arith.constant 0 : i32
        %dma_start3A_46 = tpu.memref_slice %arg4[%select_n3A_39, %dma_start3A] : memref<4x19872xi32, #tpu.memory_space<hbm>> -> memref<1x19872xi32, #tpu.memory_space<hbm>>
        %dma_start3A_47 = tpu.memref_squeeze %dma_start3A_46 : memref<1x19872xi32, #tpu.memory_space<hbm>> -> memref<19872xi32, #tpu.memory_space<hbm>>
        %dma_start3A_48 = arith.constant 0 : i32
        %dma_start3A_49 = tpu.memref_slice %arg4[%select_n3A_39, %dma_start3A_48] : memref<4x19872xi32, #tpu.memory_space<hbm>> -> memref<1x19872xi32, #tpu.memory_space<hbm>>
        %dma_start3A_50 = tpu.memref_squeeze %dma_start3A_49 : memref<1x19872xi32, #tpu.memory_space<hbm>> -> memref<19872xi32, #tpu.memory_space<hbm>>
        tpu.enqueue_dma source(%dma_start3A_50 : memref<19872xi32, #tpu.memory_space<hbm>>) target(%arg9 : memref<19872xi32, #tpu.memory_space<vmem>>) target_semaphore(%run_scoped3A : memref<!tpu.dma_semaphore, #tpu.memory_space<semaphore_mem>>)
        %dma_wait3A = arith.constant 0 : i32
        %dma_wait3A_51 = tpu.memref_slice %arg4[%select_n3A_39, %dma_wait3A] : memref<4x19872xi32, #tpu.memory_space<hbm>> -> memref<1x19872xi32, #tpu.memory_space<hbm>>
        %dma_wait3A_52 = tpu.memref_squeeze %dma_wait3A_51 : memref<1x19872xi32, #tpu.memory_space<hbm>> -> memref<19872xi32, #tpu.memory_space<hbm>>
        %dma_wait3A_53 = arith.constant 0 : i32
        %dma_wait3A_54 = tpu.memref_slice %arg4[%select_n3A_39, %dma_wait3A_53] : memref<4x19872xi32, #tpu.memory_space<hbm>> -> memref<1x19872xi32, #tpu.memory_space<hbm>>
        %dma_wait3A_55 = tpu.memref_squeeze %dma_wait3A_54 : memref<1x19872xi32, #tpu.memory_space<hbm>> -> memref<19872xi32, #tpu.memory_space<hbm>>
        tpu.wait_dma2 semaphore(%run_scoped3A : memref<!tpu.dma_semaphore, #tpu.memory_space<semaphore_mem>>) src(%dma_wait3A_55 : memref<19872xi32, #tpu.memory_space<hbm>>) dst(%arg9 : memref<19872xi32, #tpu.memory_space<vmem>>)
        tpu.yield
      }) : () -> ()
      "tpu.region"() ({
        %run_scoped3A = tpu.sem_alloc : memref<!tpu.dma_semaphore, #tpu.memory_space<semaphore_mem>>
        %dma_start3A = arith.constant 0 : i32
        %dma_start3A_46 = tpu.memref_slice %arg5[%select_n3A_39, %dma_start3A] : memref<4x19872xi32, #tpu.memory_space<hbm>> -> memref<1x19872xi32, #tpu.memory_space<hbm>>
        %dma_start3A_47 = tpu.memref_squeeze %dma_start3A_46 : memref<1x19872xi32, #tpu.memory_space<hbm>> -> memref<19872xi32, #tpu.memory_space<hbm>>
        %dma_start3A_48 = arith.constant 0 : i32
        %dma_start3A_49 = tpu.memref_slice %arg5[%select_n3A_39, %dma_start3A_48] : memref<4x19872xi32, #tpu.memory_space<hbm>> -> memref<1x19872xi32, #tpu.memory_space<hbm>>
        %dma_start3A_50 = tpu.memref_squeeze %dma_start3A_49 : memref<1x19872xi32, #tpu.memory_space<hbm>> -> memref<19872xi32, #tpu.memory_space<hbm>>
        tpu.enqueue_dma source(%dma_start3A_50 : memref<19872xi32, #tpu.memory_space<hbm>>) target(%arg10 : memref<19872xi32, #tpu.memory_space<vmem>>) target_semaphore(%run_scoped3A : memref<!tpu.dma_semaphore, #tpu.memory_space<semaphore_mem>>)
        %dma_wait3A = arith.constant 0 : i32
        %dma_wait3A_51 = tpu.memref_slice %arg5[%select_n3A_39, %dma_wait3A] : memref<4x19872xi32, #tpu.memory_space<hbm>> -> memref<1x19872xi32, #tpu.memory_space<hbm>>
        %dma_wait3A_52 = tpu.memref_squeeze %dma_wait3A_51 : memref<1x19872xi32, #tpu.memory_space<hbm>> -> memref<19872xi32, #tpu.memory_space<hbm>>
        %dma_wait3A_53 = arith.constant 0 : i32
        %dma_wait3A_54 = tpu.memref_slice %arg5[%select_n3A_39, %dma_wait3A_53] : memref<4x19872xi32, #tpu.memory_space<hbm>> -> memref<1x19872xi32, #tpu.memory_space<hbm>>
        %dma_wait3A_55 = tpu.memref_squeeze %dma_wait3A_54 : memref<1x19872xi32, #tpu.memory_space<hbm>> -> memref<19872xi32, #tpu.memory_space<hbm>>
        tpu.wait_dma2 semaphore(%run_scoped3A : memref<!tpu.dma_semaphore, #tpu.memory_space<semaphore_mem>>) src(%dma_wait3A_55 : memref<19872xi32, #tpu.memory_space<hbm>>) dst(%arg10 : memref<19872xi32, #tpu.memory_space<vmem>>)
        tpu.yield
      }) : () -> ()
      %scan3A_40 = arith.constant 0 : i32
      %scan3A_41 = arith.constant 0 : i32
      %scan3A_42 = arith.constant 1242 : i32
      %scan3A_43 = arith.addi %scan3A_41, %scan3A_42 : i32
      %scan3A_44 = arith.constant 1 : i32
      scf.for %scan3A_46 = %scan3A_41 to %scan3A_43 step %scan3A_44  : i32 {
        %mul3A_47 = arith.constant 16 : i32
        %mul3A_48 = arith.muli %scan3A_46, %mul3A_47 : i32
        %get3A = arith.index_cast %mul3A_48 : i32 to index
        %get3A_49 = tpu.vector_load %arg9[%get3A] {strides = array<i32>} : memref<19872xi32, #tpu.memory_space<vmem>>, vector<16xi32>,
        %gather3A = tpu.vector_load_idx %arg7[%get3A_49] : memref<3848xf32, #tpu.memory_space<vmem>>[vector<16xi32>], vector<16xf32>,
        %mul3A_50 = arith.constant 16 : i32
        %mul3A_51 = arith.muli %scan3A_46, %mul3A_50 : i32
        %get3A_52 = arith.index_cast %mul3A_51 : i32 to index
        %get3A_53 = tpu.vector_load %arg10[%get3A_52] {strides = array<i32>} : memref<19872xi32, #tpu.memory_space<vmem>>, vector<16xi32>,
        %gather3A_54 = tpu.vector_load_idx %arg8[%get3A_53] : memref<15880xf32, #tpu.memory_space<vmem>>[vector<16xi32>], vector<16xf32>,
        %sub3A_55 = arith.subf %gather3A_54, %gather3A : vector<16xf32>
        %mul3A_56 = arith.constant 16 : i32
        %mul3A_57 = arith.muli %scan3A_46, %mul3A_56 : i32
        %swap3A = arith.index_cast %mul3A_57 : i32 to index
        %swap3A_58 = tpu.vector_load %arg11[%swap3A] {strides = array<i32>} : memref<19872xf32, #tpu.memory_space<vmem>>, vector<16xf32>,
        tpu.vector_store %arg11[%swap3A], %sub3A_55 {strides = array<i32>} : memref<19872xf32, #tpu.memory_space<vmem>>, vector<16xf32>,
      }
      %scan3A_45 = arith.constant 1242 : i32
      "tpu.region"() ({
        %run_scoped3A = tpu.sem_alloc : memref<!tpu.dma_semaphore, #tpu.memory_space<semaphore_mem>>
        %dma_start3A = arith.constant 0 : i32
        %dma_start3A_46 = tpu.memref_slice %arg6[%select_n3A, %select_n3A_39, %dma_start3A] : memref<72x4x19872xf32, #tpu.memory_space<hbm>> -> memref<1x1x19872xf32, #tpu.memory_space<hbm>>
        %dma_start3A_47 = tpu.memref_squeeze %dma_start3A_46 : memref<1x1x19872xf32, #tpu.memory_space<hbm>> -> memref<19872xf32, #tpu.memory_space<hbm>>
        %dma_start3A_48 = arith.constant 0 : i32
        %dma_start3A_49 = tpu.memref_slice %arg6[%select_n3A, %select_n3A_39, %dma_start3A_48] : memref<72x4x19872xf32, #tpu.memory_space<hbm>> -> memref<1x1x19872xf32, #tpu.memory_space<hbm>>
        %dma_start3A_50 = tpu.memref_squeeze %dma_start3A_49 : memref<1x1x19872xf32, #tpu.memory_space<hbm>> -> memref<19872xf32, #tpu.memory_space<hbm>>
        tpu.enqueue_dma source(%arg11 : memref<19872xf32, #tpu.memory_space<vmem>>) target(%dma_start3A_50 : memref<19872xf32, #tpu.memory_space<hbm>>) target_semaphore(%run_scoped3A : memref<!tpu.dma_semaphore, #tpu.memory_space<semaphore_mem>>)
        %dma_wait3A = arith.constant 0 : i32
        %dma_wait3A_51 = tpu.memref_slice %arg6[%select_n3A, %select_n3A_39, %dma_wait3A] : memref<72x4x19872xf32, #tpu.memory_space<hbm>> -> memref<1x1x19872xf32, #tpu.memory_space<hbm>>
        %dma_wait3A_52 = tpu.memref_squeeze %dma_wait3A_51 : memref<1x1x19872xf32, #tpu.memory_space<hbm>> -> memref<19872xf32, #tpu.memory_space<hbm>>
        %dma_wait3A_53 = arith.constant 0 : i32
        %dma_wait3A_54 = tpu.memref_slice %arg6[%select_n3A, %select_n3A_39, %dma_wait3A_53] : memref<72x4x19872xf32, #tpu.memory_space<hbm>> -> memref<1x1x19872xf32, #tpu.memory_space<hbm>>
        %dma_wait3A_55 = tpu.memref_squeeze %dma_wait3A_54 : memref<1x1x19872xf32, #tpu.memory_space<hbm>> -> memref<19872xf32, #tpu.memory_space<hbm>>
        tpu.wait_dma2 semaphore(%run_scoped3A : memref<!tpu.dma_semaphore, #tpu.memory_space<semaphore_mem>>) src(%arg11 : memref<19872xf32, #tpu.memory_space<vmem>>) dst(%dma_wait3A_55 : memref<19872xf32, #tpu.memory_space<hbm>>)
        tpu.yield
      }) : () -> ()
    }
    %scan3A_5 = arith.constant 9 : i32
    return
  }
}

module attributes {stable_mosaic.version = 14 : i64} {
  func.func @_dist_topk_body(%arg0: i32, %arg1: memref<1x252x72xf32, #tpu.memory_space<vmem>>, %arg2: memref<1x1240x72xf32, #tpu.memory_space<vmem>>, %arg3: memref<1x252x5xf32, #tpu.memory_space<vmem>>, %arg4: memref<1x252x5xi32, #tpu.memory_space<vmem>>) attributes {dimension_semantics = [#tpu.dimension_semantics<arbitrary>], iteration_bounds = array<i64: 63>, scalar_prefetch = 0 : i64, scratch_operands = 0 : i64, tpu.core_type = #tpu.core_type<tc>, window_params = [{transform_indices = @transform_0, window_bounds = array<i64: 1, 252, 72>}, {transform_indices = @transform_1, window_bounds = array<i64: 1, 1240, 72>}, {transform_indices = @transform_2, window_bounds = array<i64: 1, 252, 5>}, {transform_indices = @transform_3, window_bounds = array<i64: 1, 252, 5>}]} {
    %sub3A = arith.constant 10 : i32
    %sub3A_0 = arith.subi %arg0, %sub3A : i32
    %jit3A = arith.constant 0 : i32
    %jit3A_1 = arith.constant 42 : i32
    %max3A = arith.maxsi %jit3A, %sub3A_0 : i32
    %min3A = arith.minsi %jit3A_1, %max3A : i32
    %get3A = arith.constant 0 : index
    %get3A_2 = arith.constant 0 : index
    %get3A_3 = arith.constant 0 : index
    %get3A_4 = vector.load %arg1[%get3A, %get3A_2, %get3A_3] : memref<1x252x72xf32, #tpu.memory_space<vmem>>, vector<1x252x72xf32>
    %get3A_5 = vector.shape_cast %get3A_4 : vector<1x252x72xf32> to vector<252x72xf32>
    %get3A_6 = arith.constant 0 : index
    %get3A_7 = arith.constant 0 : index
    %get3A_8 = arith.constant 0 : index
    %get3A_9 = vector.load %arg2[%get3A_6, %get3A_7, %get3A_8] : memref<1x1240x72xf32, #tpu.memory_space<vmem>>, vector<1x1240x72xf32>
    %get3A_10 = vector.shape_cast %get3A_9 : vector<1x1240x72xf32> to vector<1240x72xf32>
    %dot_general3A = arith.constant dense<0.000000e+00> : vector<252x1240xf32>
    %dot_general3A_11 = tpu.matmul %get3A_5, %get3A_10, %dot_general3A {dimension_numbers = #tpu.dot_dimension_numbers<[1], [1], [0], [0], [0, 0, 1, 0], [], []>, precision = #tpu.contract_precision<fp32>, transpose_lhs_hint = false} : vector<252x72xf32>, vector<1240x72xf32>, vector<252x1240xf32> -> vector<252x1240xf32>
    %mul3A = arith.mulf %get3A_5, %get3A_5 : vector<252x72xf32>
    %reduce_sum3A = arith.constant dense<0.000000e+00> : vector<252xf32>
    %reduce_sum3A_12 = vector.multi_reduction <add>, %mul3A, %reduce_sum3A [1] : vector<252x72xf32> to vector<252xf32>
    %broadcast_in_dim3A = vector.shape_cast %reduce_sum3A_12 : vector<252xf32> to vector<252x1xf32>
    %broadcast_in_dim3A_13 = arith.constant 1.000000e+00 : f32
    %broadcast_in_dim3A_14 = vector.broadcast %broadcast_in_dim3A_13 : f32 to vector<1x72xf32>
    %mul3A_15 = arith.mulf %get3A_10, %get3A_10 : vector<1240x72xf32>
    %dot_general3A_16 = arith.constant dense<0.000000e+00> : vector<1x1240xf32>
    %dot_general3A_17 = tpu.matmul %broadcast_in_dim3A_14, %mul3A_15, %dot_general3A_16 {dimension_numbers = #tpu.dot_dimension_numbers<[1], [1], [0], [0], [0, 0, 1, 0], [], []>, precision = #tpu.contract_precision<fp32>, transpose_lhs_hint = false} : vector<1x72xf32>, vector<1240x72xf32>, vector<1x1240xf32> -> vector<1x1240xf32>
    %mul3A_18 = arith.constant 2.000000e+00 : f32
    %mul3A_19 = vector.broadcast %mul3A_18 : f32 to vector<252x1240xf32>
    %mul3A_20 = arith.mulf %mul3A_19, %dot_general3A_11 : vector<252x1240xf32>
    %sub3A_21 = vector.broadcast %broadcast_in_dim3A : vector<252x1xf32> to vector<252x1240xf32>
    %sub3A_22 = arith.subf %sub3A_21, %mul3A_20 : vector<252x1240xf32>
    %add3A = vector.broadcast %dot_general3A_17 : vector<1x1240xf32> to vector<252x1240xf32>
    %add3A_23 = arith.addf %sub3A_22, %add3A : vector<252x1240xf32>
    %iota3A = tpu.iota {dimensions = array<i32: 1>} : vector<252x1240xi32>
    %jit3A_24 = arith.constant 62 : i32
    %eq3A = arith.constant 0 : i32
    %eq3A_25 = arith.cmpi eq, %jit3A_24, %eq3A : i32
    %jit3A_26 = arith.constant 1 : i32
    %select_n3A = arith.select %eq3A_25, %jit3A_26, %jit3A_24 : i32
    %rem3A = vector.broadcast %select_n3A : i32 to vector<252x1240xi32>
    %rem3A_27 = arith.remsi %iota3A, %rem3A : vector<252x1240xi32>
    %ne3A = arith.constant 0 : i32
    %ne3A_28 = vector.broadcast %ne3A : i32 to vector<252x1240xi32>
    %ne3A_29 = arith.cmpi ne, %rem3A_27, %ne3A_28 : vector<252x1240xi32>
    %lt3A = arith.constant 0 : i32
    %lt3A_30 = vector.broadcast %lt3A : i32 to vector<252x1240xi32>
    %lt3A_31 = arith.cmpi slt, %rem3A_27, %lt3A_30 : vector<252x1240xi32>
    %lt3A_32 = arith.constant 0 : i32
    %lt3A_33 = arith.cmpi slt, %select_n3A, %lt3A_32 : i32
    %ne3A_34 = vector.broadcast %lt3A_33 : i1 to vector<252x1240xi1>
    %ne3A_35 = vector.broadcast %ne3A_34 : vector<252x1240xi1> to vector<252x1240xi1>
    %ne3A_36 = arith.xori %lt3A_31, %ne3A_35 : vector<252x1240xi1>
    %and3A = arith.andi %ne3A_36, %ne3A_29 : vector<252x1240xi1>
    %add3A_37 = vector.broadcast %select_n3A : i32 to vector<252x1240xi32>
    %add3A_38 = arith.addi %rem3A_27, %add3A_37 : vector<252x1240xi32>
    %select_n3A_39 = arith.select %and3A, %add3A_38, %rem3A_27 : vector<252x1240xi1>, vector<252x1240xi32>
    %iota3A_40 = tpu.iota {dimensions = array<i32: 0>} : vector<252x1xi32>
    %jit3A_41 = arith.constant 126 : i32
    %eq3A_42 = arith.constant 0 : i32
    %eq3A_43 = arith.cmpi eq, %jit3A_41, %eq3A_42 : i32
    %jit3A_44 = arith.constant 1 : i32
    %select_n3A_45 = arith.select %eq3A_43, %jit3A_44, %jit3A_41 : i32
    %rem3A_46 = vector.broadcast %select_n3A_45 : i32 to vector<252x1xi32>
    %rem3A_47 = arith.remsi %iota3A_40, %rem3A_46 : vector<252x1xi32>
    %ne3A_48 = arith.constant 0 : i32
    %ne3A_49 = vector.broadcast %ne3A_48 : i32 to vector<252x1xi32>
    %ne3A_50 = arith.cmpi ne, %rem3A_47, %ne3A_49 : vector<252x1xi32>
    %lt3A_51 = arith.constant 0 : i32
    %lt3A_52 = vector.broadcast %lt3A_51 : i32 to vector<252x1xi32>
    %lt3A_53 = arith.cmpi slt, %rem3A_47, %lt3A_52 : vector<252x1xi32>
    %lt3A_54 = arith.constant 0 : i32
    %lt3A_55 = arith.cmpi slt, %select_n3A_45, %lt3A_54 : i32
    %ne3A_56 = vector.broadcast %lt3A_55 : i1 to vector<252x1xi1>
    %ne3A_57 = vector.broadcast %ne3A_56 : vector<252x1xi1> to vector<252x1xi1>
    %ne3A_58 = arith.xori %lt3A_53, %ne3A_57 : vector<252x1xi1>
    %and3A_59 = arith.andi %ne3A_58, %ne3A_50 : vector<252x1xi1>
    %add3A_60 = vector.broadcast %select_n3A_45 : i32 to vector<252x1xi32>
    %add3A_61 = arith.addi %rem3A_47, %add3A_60 : vector<252x1xi32>
    %select_n3A_62 = arith.select %and3A_59, %add3A_61, %rem3A_47 : vector<252x1xi1>, vector<252x1xi32>
    %jit3A_63 = arith.constant 2 : i32
    %div3A = vector.broadcast %jit3A_63 : i32 to vector<252x1xi32>
    %div3A_64 = arith.divsi %select_n3A_62, %div3A : vector<252x1xi32>
    %sign3A = arith.constant 0 : i32
    %sign3A_65 = vector.broadcast %sign3A : i32 to vector<252x1xi32>
    %sign3A_66 = arith.cmpi sgt, %select_n3A_62, %sign3A_65 : vector<252x1xi32>
    %sign3A_67 = arith.extui %sign3A_66 : vector<252x1xi1> to vector<252x1xi32>
    %sign3A_68 = arith.constant 0 : i32
    %sign3A_69 = vector.broadcast %sign3A_68 : i32 to vector<252x1xi32>
    %sign3A_70 = arith.cmpi slt, %select_n3A_62, %sign3A_69 : vector<252x1xi32>
    %sign3A_71 = arith.extui %sign3A_70 : vector<252x1xi1> to vector<252x1xi32>
    %sign3A_72 = arith.subi %sign3A_67, %sign3A_71 : vector<252x1xi32>
    %sign3A_73 = arith.constant 0 : i32
    %sign3A_74 = arith.cmpi sgt, %jit3A_63, %sign3A_73 : i32
    %sign3A_75 = arith.extui %sign3A_74 : i1 to i32
    %sign3A_76 = arith.constant 0 : i32
    %sign3A_77 = arith.cmpi slt, %jit3A_63, %sign3A_76 : i32
    %sign3A_78 = arith.extui %sign3A_77 : i1 to i32
    %sign3A_79 = arith.subi %sign3A_75, %sign3A_78 : i32
    %ne3A_80 = vector.broadcast %sign3A_79 : i32 to vector<252x1xi32>
    %ne3A_81 = arith.cmpi ne, %sign3A_72, %ne3A_80 : vector<252x1xi32>
    %rem3A_82 = vector.broadcast %jit3A_63 : i32 to vector<252x1xi32>
    %rem3A_83 = arith.remsi %select_n3A_62, %rem3A_82 : vector<252x1xi32>
    %ne3A_84 = arith.constant 0 : i32
    %ne3A_85 = vector.broadcast %ne3A_84 : i32 to vector<252x1xi32>
    %ne3A_86 = arith.cmpi ne, %rem3A_83, %ne3A_85 : vector<252x1xi32>
    %and3A_87 = arith.andi %ne3A_81, %ne3A_86 : vector<252x1xi1>
    %sub3A_88 = arith.constant 1 : i32
    %sub3A_89 = vector.broadcast %sub3A_88 : i32 to vector<252x1xi32>
    %sub3A_90 = arith.subi %div3A_64, %sub3A_89 : vector<252x1xi32>
    %select_n3A_91 = arith.select %and3A_87, %sub3A_90, %div3A_64 : vector<252x1xi1>, vector<252x1xi32>
    %sub3A_92 = arith.constant 10 : i32
    %sub3A_93 = vector.broadcast %sub3A_92 : i32 to vector<252x1xi32>
    %sub3A_94 = arith.subi %select_n3A_91, %sub3A_93 : vector<252x1xi32>
    %jit3A_95 = arith.constant 0 : i32
    %jit3A_96 = arith.constant 42 : i32
    %max3A_97 = vector.broadcast %jit3A_95 : i32 to vector<252x1xi32>
    %max3A_98 = arith.maxsi %max3A_97, %sub3A_94 : vector<252x1xi32>
    %min3A_99 = vector.broadcast %jit3A_96 : i32 to vector<252x1xi32>
    %min3A_100 = arith.minsi %min3A_99, %max3A_98 : vector<252x1xi32>
    %sub3A_101 = vector.broadcast %min3A_100 : vector<252x1xi32> to vector<252x1240xi32>
    %sub3A_102 = arith.subi %select_n3A_39, %sub3A_101 : vector<252x1240xi32>
    %ge3A = arith.constant 0 : i32
    %ge3A_103 = vector.broadcast %ge3A : i32 to vector<252x1240xi32>
    %ge3A_104 = arith.cmpi sge, %sub3A_102, %ge3A_103 : vector<252x1240xi32>
    %lt3A_105 = arith.constant 20 : i32
    %lt3A_106 = vector.broadcast %lt3A_105 : i32 to vector<252x1240xi32>
    %lt3A_107 = arith.cmpi slt, %sub3A_102, %lt3A_106 : vector<252x1240xi32>
    %and3A_108 = arith.andi %ge3A_104, %lt3A_107 : vector<252x1240xi1>
    %jit3A_109 = arith.constant 0x7F800000 : f32
    %broadcast_in_dim3A_110 = vector.broadcast %jit3A_109 : f32 to vector<252x1240xf32>
    %select_n3A_111 = arith.select %and3A_108, %add3A_23, %broadcast_in_dim3A_110 : vector<252x1240xi1>, vector<252x1240xf32>
    %mul3A_112 = arith.constant 62 : i32
    %mul3A_113 = arith.muli %min3A, %mul3A_112 : i32
    %reduce_min3A = arith.constant dense<0x7F800000> : vector<252xf32>
    %reduce_min3A_114 = vector.multi_reduction <minimumf>, %select_n3A_111, %reduce_min3A [1] : vector<252x1240xf32> to vector<252xf32>
    %broadcast_in_dim3A_115 = vector.shape_cast %reduce_min3A_114 : vector<252xf32> to vector<252x1xf32>
    %eq3A_116 = vector.broadcast %broadcast_in_dim3A_115 : vector<252x1xf32> to vector<252x1240xf32>
    %eq3A_117 = arith.cmpf oeq, %select_n3A_111, %eq3A_116 : vector<252x1240xf32>
    %jit3A_118 = arith.constant 1073741824 : i32
    %broadcast_in_dim3A_119 = vector.broadcast %jit3A_118 : i32 to vector<252x1240xi32>
    %select_n3A_120 = arith.select %eq3A_117, %iota3A, %broadcast_in_dim3A_119 : vector<252x1240xi1>, vector<252x1240xi32>
    %reduce_min3A_121 = arith.constant dense<2147483647> : vector<252xi32>
    %reduce_min3A_122 = vector.multi_reduction <minsi>, %select_n3A_120, %reduce_min3A_121 [1] : vector<252x1240xi32> to vector<252xi32>
    %broadcast_in_dim3A_123 = vector.shape_cast %reduce_min3A_122 : vector<252xi32> to vector<252x1xi32>
    %neg3A = arith.constant 0.000000e+00 : f32
    %neg3A_124 = vector.broadcast %neg3A : f32 to vector<252x1xf32>
    %neg3A_125 = arith.subf %neg3A_124, %broadcast_in_dim3A_115 : vector<252x1xf32>
    %swap3A = arith.constant 0 : index
    %swap3A_126 = arith.constant 0 : index
    %swap3A_127 = arith.constant 0 : index
    %swap3A_128 = vector.load %arg3[%swap3A, %swap3A_126, %swap3A_127] : memref<1x252x5xf32, #tpu.memory_space<vmem>>, vector<1x252x1xf32>
    %swap3A_129 = vector.shape_cast %swap3A_128 : vector<1x252x1xf32> to vector<252x1xf32>
    %swap3A_130 = vector.shape_cast %neg3A_125 : vector<252x1xf32> to vector<1x252x1xf32>
    tpu.vector_store %arg3[%swap3A, %swap3A_126, %swap3A_127], %swap3A_130 {strides = array<i32>} : memref<1x252x5xf32, #tpu.memory_space<vmem>>, vector<1x252x1xf32>,
    %add3A_131 = vector.broadcast %mul3A_113 : i32 to vector<252x1xi32>
    %add3A_132 = arith.addi %broadcast_in_dim3A_123, %add3A_131 : vector<252x1xi32>
    %swap3A_133 = arith.constant 0 : index
    %swap3A_134 = arith.constant 0 : index
    %swap3A_135 = arith.constant 0 : index
    %swap3A_136 = vector.load %arg4[%swap3A_133, %swap3A_134, %swap3A_135] : memref<1x252x5xi32, #tpu.memory_space<vmem>>, vector<1x252x1xi32>
    %swap3A_137 = vector.shape_cast %swap3A_136 : vector<1x252x1xi32> to vector<252x1xi32>
    %swap3A_138 = vector.shape_cast %add3A_132 : vector<252x1xi32> to vector<1x252x1xi32>
    tpu.vector_store %arg4[%swap3A_133, %swap3A_134, %swap3A_135], %swap3A_138 {strides = array<i32>} : memref<1x252x5xi32, #tpu.memory_space<vmem>>, vector<1x252x1xi32>,
    %eq3A_139 = vector.broadcast %broadcast_in_dim3A_123 : vector<252x1xi32> to vector<252x1240xi32>
    %eq3A_140 = arith.cmpi eq, %iota3A, %eq3A_139 : vector<252x1240xi32>
    %jit3A_141 = arith.constant 0x7F800000 : f32
    %broadcast_in_dim3A_142 = vector.broadcast %jit3A_141 : f32 to vector<252x1240xf32>
    %select_n3A_143 = arith.select %eq3A_140, %broadcast_in_dim3A_142, %select_n3A_111 : vector<252x1240xi1>, vector<252x1240xf32>
    %reduce_min3A_144 = arith.constant dense<0x7F800000> : vector<252xf32>
    %reduce_min3A_145 = vector.multi_reduction <minimumf>, %select_n3A_143, %reduce_min3A_144 [1] : vector<252x1240xf32> to vector<252xf32>
    %broadcast_in_dim3A_146 = vector.shape_cast %reduce_min3A_145 : vector<252xf32> to vector<252x1xf32>
    %eq3A_147 = vector.broadcast %broadcast_in_dim3A_146 : vector<252x1xf32> to vector<252x1240xf32>
    %eq3A_148 = arith.cmpf oeq, %select_n3A_143, %eq3A_147 : vector<252x1240xf32>
    %jit3A_149 = arith.constant 1073741824 : i32
    %broadcast_in_dim3A_150 = vector.broadcast %jit3A_149 : i32 to vector<252x1240xi32>
    %select_n3A_151 = arith.select %eq3A_148, %iota3A, %broadcast_in_dim3A_150 : vector<252x1240xi1>, vector<252x1240xi32>
    %reduce_min3A_152 = arith.constant dense<2147483647> : vector<252xi32>
    %reduce_min3A_153 = vector.multi_reduction <minsi>, %select_n3A_151, %reduce_min3A_152 [1] : vector<252x1240xi32> to vector<252xi32>
    %broadcast_in_dim3A_154 = vector.shape_cast %reduce_min3A_153 : vector<252xi32> to vector<252x1xi32>
    %neg3A_155 = arith.constant 0.000000e+00 : f32
    %neg3A_156 = vector.broadcast %neg3A_155 : f32 to vector<252x1xf32>
    %neg3A_157 = arith.subf %neg3A_156, %broadcast_in_dim3A_146 : vector<252x1xf32>
    %swap3A_158 = arith.constant 0 : index
    %swap3A_159 = arith.constant 0 : index
    %swap3A_160 = arith.constant 1 : index
    %swap3A_161 = vector.load %arg3[%swap3A_158, %swap3A_159, %swap3A_160] : memref<1x252x5xf32, #tpu.memory_space<vmem>>, vector<1x252x1xf32>
    %swap3A_162 = vector.shape_cast %swap3A_161 : vector<1x252x1xf32> to vector<252x1xf32>
    %swap3A_163 = vector.shape_cast %neg3A_157 : vector<252x1xf32> to vector<1x252x1xf32>
    tpu.vector_store %arg3[%swap3A_158, %swap3A_159, %swap3A_160], %swap3A_163 {strides = array<i32>} : memref<1x252x5xf32, #tpu.memory_space<vmem>>, vector<1x252x1xf32>,
    %add3A_164 = vector.broadcast %mul3A_113 : i32 to vector<252x1xi32>
    %add3A_165 = arith.addi %broadcast_in_dim3A_154, %add3A_164 : vector<252x1xi32>
    %swap3A_166 = arith.constant 0 : index
    %swap3A_167 = arith.constant 0 : index
    %swap3A_168 = arith.constant 1 : index
    %swap3A_169 = vector.load %arg4[%swap3A_166, %swap3A_167, %swap3A_168] : memref<1x252x5xi32, #tpu.memory_space<vmem>>, vector<1x252x1xi32>
    %swap3A_170 = vector.shape_cast %swap3A_169 : vector<1x252x1xi32> to vector<252x1xi32>
    %swap3A_171 = vector.shape_cast %add3A_165 : vector<252x1xi32> to vector<1x252x1xi32>
    tpu.vector_store %arg4[%swap3A_166, %swap3A_167, %swap3A_168], %swap3A_171 {strides = array<i32>} : memref<1x252x5xi32, #tpu.memory_space<vmem>>, vector<1x252x1xi32>,
    %eq3A_172 = vector.broadcast %broadcast_in_dim3A_154 : vector<252x1xi32> to vector<252x1240xi32>
    %eq3A_173 = arith.cmpi eq, %iota3A, %eq3A_172 : vector<252x1240xi32>
    %jit3A_174 = arith.constant 0x7F800000 : f32
    %broadcast_in_dim3A_175 = vector.broadcast %jit3A_174 : f32 to vector<252x1240xf32>
    %select_n3A_176 = arith.select %eq3A_173, %broadcast_in_dim3A_175, %select_n3A_143 : vector<252x1240xi1>, vector<252x1240xf32>
    %reduce_min3A_177 = arith.constant dense<0x7F800000> : vector<252xf32>
    %reduce_min3A_178 = vector.multi_reduction <minimumf>, %select_n3A_176, %reduce_min3A_177 [1] : vector<252x1240xf32> to vector<252xf32>
    %broadcast_in_dim3A_179 = vector.shape_cast %reduce_min3A_178 : vector<252xf32> to vector<252x1xf32>
    %eq3A_180 = vector.broadcast %broadcast_in_dim3A_179 : vector<252x1xf32> to vector<252x1240xf32>
    %eq3A_181 = arith.cmpf oeq, %select_n3A_176, %eq3A_180 : vector<252x1240xf32>
    %jit3A_182 = arith.constant 1073741824 : i32
    %broadcast_in_dim3A_183 = vector.broadcast %jit3A_182 : i32 to vector<252x1240xi32>
    %select_n3A_184 = arith.select %eq3A_181, %iota3A, %broadcast_in_dim3A_183 : vector<252x1240xi1>, vector<252x1240xi32>
    %reduce_min3A_185 = arith.constant dense<2147483647> : vector<252xi32>
    %reduce_min3A_186 = vector.multi_reduction <minsi>, %select_n3A_184, %reduce_min3A_185 [1] : vector<252x1240xi32> to vector<252xi32>
    %broadcast_in_dim3A_187 = vector.shape_cast %reduce_min3A_186 : vector<252xi32> to vector<252x1xi32>
    %neg3A_188 = arith.constant 0.000000e+00 : f32
    %neg3A_189 = vector.broadcast %neg3A_188 : f32 to vector<252x1xf32>
    %neg3A_190 = arith.subf %neg3A_189, %broadcast_in_dim3A_179 : vector<252x1xf32>
    %swap3A_191 = arith.constant 0 : index
    %swap3A_192 = arith.constant 0 : index
    %swap3A_193 = arith.constant 2 : index
    %swap3A_194 = vector.load %arg3[%swap3A_191, %swap3A_192, %swap3A_193] : memref<1x252x5xf32, #tpu.memory_space<vmem>>, vector<1x252x1xf32>
    %swap3A_195 = vector.shape_cast %swap3A_194 : vector<1x252x1xf32> to vector<252x1xf32>
    %swap3A_196 = vector.shape_cast %neg3A_190 : vector<252x1xf32> to vector<1x252x1xf32>
    tpu.vector_store %arg3[%swap3A_191, %swap3A_192, %swap3A_193], %swap3A_196 {strides = array<i32>} : memref<1x252x5xf32, #tpu.memory_space<vmem>>, vector<1x252x1xf32>,
    %add3A_197 = vector.broadcast %mul3A_113 : i32 to vector<252x1xi32>
    %add3A_198 = arith.addi %broadcast_in_dim3A_187, %add3A_197 : vector<252x1xi32>
    %swap3A_199 = arith.constant 0 : index
    %swap3A_200 = arith.constant 0 : index
    %swap3A_201 = arith.constant 2 : index
    %swap3A_202 = vector.load %arg4[%swap3A_199, %swap3A_200, %swap3A_201] : memref<1x252x5xi32, #tpu.memory_space<vmem>>, vector<1x252x1xi32>
    %swap3A_203 = vector.shape_cast %swap3A_202 : vector<1x252x1xi32> to vector<252x1xi32>
    %swap3A_204 = vector.shape_cast %add3A_198 : vector<252x1xi32> to vector<1x252x1xi32>
    tpu.vector_store %arg4[%swap3A_199, %swap3A_200, %swap3A_201], %swap3A_204 {strides = array<i32>} : memref<1x252x5xi32, #tpu.memory_space<vmem>>, vector<1x252x1xi32>,
    %eq3A_205 = vector.broadcast %broadcast_in_dim3A_187 : vector<252x1xi32> to vector<252x1240xi32>
    %eq3A_206 = arith.cmpi eq, %iota3A, %eq3A_205 : vector<252x1240xi32>
    %jit3A_207 = arith.constant 0x7F800000 : f32
    %broadcast_in_dim3A_208 = vector.broadcast %jit3A_207 : f32 to vector<252x1240xf32>
    %select_n3A_209 = arith.select %eq3A_206, %broadcast_in_dim3A_208, %select_n3A_176 : vector<252x1240xi1>, vector<252x1240xf32>
    %reduce_min3A_210 = arith.constant dense<0x7F800000> : vector<252xf32>
    %reduce_min3A_211 = vector.multi_reduction <minimumf>, %select_n3A_209, %reduce_min3A_210 [1] : vector<252x1240xf32> to vector<252xf32>
    %broadcast_in_dim3A_212 = vector.shape_cast %reduce_min3A_211 : vector<252xf32> to vector<252x1xf32>
    %eq3A_213 = vector.broadcast %broadcast_in_dim3A_212 : vector<252x1xf32> to vector<252x1240xf32>
    %eq3A_214 = arith.cmpf oeq, %select_n3A_209, %eq3A_213 : vector<252x1240xf32>
    %jit3A_215 = arith.constant 1073741824 : i32
    %broadcast_in_dim3A_216 = vector.broadcast %jit3A_215 : i32 to vector<252x1240xi32>
    %select_n3A_217 = arith.select %eq3A_214, %iota3A, %broadcast_in_dim3A_216 : vector<252x1240xi1>, vector<252x1240xi32>
    %reduce_min3A_218 = arith.constant dense<2147483647> : vector<252xi32>
    %reduce_min3A_219 = vector.multi_reduction <minsi>, %select_n3A_217, %reduce_min3A_218 [1] : vector<252x1240xi32> to vector<252xi32>
    %broadcast_in_dim3A_220 = vector.shape_cast %reduce_min3A_219 : vector<252xi32> to vector<252x1xi32>
    %neg3A_221 = arith.constant 0.000000e+00 : f32
    %neg3A_222 = vector.broadcast %neg3A_221 : f32 to vector<252x1xf32>
    %neg3A_223 = arith.subf %neg3A_222, %broadcast_in_dim3A_212 : vector<252x1xf32>
    %swap3A_224 = arith.constant 0 : index
    %swap3A_225 = arith.constant 0 : index
    %swap3A_226 = arith.constant 3 : index
    %swap3A_227 = vector.load %arg3[%swap3A_224, %swap3A_225, %swap3A_226] : memref<1x252x5xf32, #tpu.memory_space<vmem>>, vector<1x252x1xf32>
    %swap3A_228 = vector.shape_cast %swap3A_227 : vector<1x252x1xf32> to vector<252x1xf32>
    %swap3A_229 = vector.shape_cast %neg3A_223 : vector<252x1xf32> to vector<1x252x1xf32>
    tpu.vector_store %arg3[%swap3A_224, %swap3A_225, %swap3A_226], %swap3A_229 {strides = array<i32>} : memref<1x252x5xf32, #tpu.memory_space<vmem>>, vector<1x252x1xf32>,
    %add3A_230 = vector.broadcast %mul3A_113 : i32 to vector<252x1xi32>
    %add3A_231 = arith.addi %broadcast_in_dim3A_220, %add3A_230 : vector<252x1xi32>
    %swap3A_232 = arith.constant 0 : index
    %swap3A_233 = arith.constant 0 : index
    %swap3A_234 = arith.constant 3 : index
    %swap3A_235 = vector.load %arg4[%swap3A_232, %swap3A_233, %swap3A_234] : memref<1x252x5xi32, #tpu.memory_space<vmem>>, vector<1x252x1xi32>
    %swap3A_236 = vector.shape_cast %swap3A_235 : vector<1x252x1xi32> to vector<252x1xi32>
    %swap3A_237 = vector.shape_cast %add3A_231 : vector<252x1xi32> to vector<1x252x1xi32>
    tpu.vector_store %arg4[%swap3A_232, %swap3A_233, %swap3A_234], %swap3A_237 {strides = array<i32>} : memref<1x252x5xi32, #tpu.memory_space<vmem>>, vector<1x252x1xi32>,
    %eq3A_238 = vector.broadcast %broadcast_in_dim3A_220 : vector<252x1xi32> to vector<252x1240xi32>
    %eq3A_239 = arith.cmpi eq, %iota3A, %eq3A_238 : vector<252x1240xi32>
    %jit3A_240 = arith.constant 0x7F800000 : f32
    %broadcast_in_dim3A_241 = vector.broadcast %jit3A_240 : f32 to vector<252x1240xf32>
    %select_n3A_242 = arith.select %eq3A_239, %broadcast_in_dim3A_241, %select_n3A_209 : vector<252x1240xi1>, vector<252x1240xf32>
    %reduce_min3A_243 = arith.constant dense<0x7F800000> : vector<252xf32>
    %reduce_min3A_244 = vector.multi_reduction <minimumf>, %select_n3A_242, %reduce_min3A_243 [1] : vector<252x1240xf32> to vector<252xf32>
    %broadcast_in_dim3A_245 = vector.shape_cast %reduce_min3A_244 : vector<252xf32> to vector<252x1xf32>
    %eq3A_246 = vector.broadcast %broadcast_in_dim3A_245 : vector<252x1xf32> to vector<252x1240xf32>
    %eq3A_247 = arith.cmpf oeq, %select_n3A_242, %eq3A_246 : vector<252x1240xf32>
    %jit3A_248 = arith.constant 1073741824 : i32
    %broadcast_in_dim3A_249 = vector.broadcast %jit3A_248 : i32 to vector<252x1240xi32>
    %select_n3A_250 = arith.select %eq3A_247, %iota3A, %broadcast_in_dim3A_249 : vector<252x1240xi1>, vector<252x1240xi32>
    %reduce_min3A_251 = arith.constant dense<2147483647> : vector<252xi32>
    %reduce_min3A_252 = vector.multi_reduction <minsi>, %select_n3A_250, %reduce_min3A_251 [1] : vector<252x1240xi32> to vector<252xi32>
    %broadcast_in_dim3A_253 = vector.shape_cast %reduce_min3A_252 : vector<252xi32> to vector<252x1xi32>
    %neg3A_254 = arith.constant 0.000000e+00 : f32
    %neg3A_255 = vector.broadcast %neg3A_254 : f32 to vector<252x1xf32>
    %neg3A_256 = arith.subf %neg3A_255, %broadcast_in_dim3A_245 : vector<252x1xf32>
    %swap3A_257 = arith.constant 0 : index
    %swap3A_258 = arith.constant 0 : index
    %swap3A_259 = arith.constant 4 : index
    %swap3A_260 = vector.load %arg3[%swap3A_257, %swap3A_258, %swap3A_259] : memref<1x252x5xf32, #tpu.memory_space<vmem>>, vector<1x252x1xf32>
    %swap3A_261 = vector.shape_cast %swap3A_260 : vector<1x252x1xf32> to vector<252x1xf32>
    %swap3A_262 = vector.shape_cast %neg3A_256 : vector<252x1xf32> to vector<1x252x1xf32>
    tpu.vector_store %arg3[%swap3A_257, %swap3A_258, %swap3A_259], %swap3A_262 {strides = array<i32>} : memref<1x252x5xf32, #tpu.memory_space<vmem>>, vector<1x252x1xf32>,
    %add3A_263 = vector.broadcast %mul3A_113 : i32 to vector<252x1xi32>
    %add3A_264 = arith.addi %broadcast_in_dim3A_253, %add3A_263 : vector<252x1xi32>
    %swap3A_265 = arith.constant 0 : index
    %swap3A_266 = arith.constant 0 : index
    %swap3A_267 = arith.constant 4 : index
    %swap3A_268 = vector.load %arg4[%swap3A_265, %swap3A_266, %swap3A_267] : memref<1x252x5xi32, #tpu.memory_space<vmem>>, vector<1x252x1xi32>
    %swap3A_269 = vector.shape_cast %swap3A_268 : vector<1x252x1xi32> to vector<252x1xi32>
    %swap3A_270 = vector.shape_cast %add3A_264 : vector<252x1xi32> to vector<1x252x1xi32>
    tpu.vector_store %arg4[%swap3A_265, %swap3A_266, %swap3A_267], %swap3A_270 {strides = array<i32>} : memref<1x252x5xi32, #tpu.memory_space<vmem>>, vector<1x252x1xi32>,
    return
  }
  func.func @transform_0(%arg0: i32) -> (i32, i32, i32) {
    %c0_i32 = arith.constant 0 : i32
    %c0_i32_0 = arith.constant 0 : i32
    %c0_i32_1 = arith.constant 0 : i32
    return %arg0, %c0_i32, %c0_i32_0 : i32, i32, i32
  }
  func.func @transform_1(%arg0: i32) -> (i32, i32, i32) {
    %c0_i32 = arith.constant 0 : i32
    %c0_i32_0 = arith.constant 0 : i32
    %c0_i32_1 = arith.constant 0 : i32
    return %arg0, %c0_i32, %c0_i32_0 : i32, i32, i32
  }
  func.func @transform_2(%arg0: i32) -> (i32, i32, i32) {
    %c0_i32 = arith.constant 0 : i32
    %c0_i32_0 = arith.constant 0 : i32
    %c0_i32_1 = arith.constant 0 : i32
    return %arg0, %c0_i32, %c0_i32_0 : i32, i32, i32
  }
  func.func @transform_3(%arg0: i32) -> (i32, i32, i32) {
    %c0_i32 = arith.constant 0 : i32
    %c0_i32_0 = arith.constant 0 : i32
    %c0_i32_1 = arith.constant 0 : i32
    return %arg0, %c0_i32, %c0_i32_0 : i32, i32, i32
  }
}

</mosaic_0001>

<sc_bundles>
// kernel: kernel.4.cloned.1.call-start
scs
__scs_entry_jumppad:
0x0: {  	(pc) =	sbr.rel $0x88, $3  }
0x1: {  	(tag) =	ssettag $0x0;
	lr =	simm.s32 $0x1  }
0x2: {  	[smem:$0x3F99] =	sst lr;
	_ =	strace $0xD0000000  }
0x3: {  	_ = 	snop  }
0x4: {  	_ = 	snop  }
0x5: {  	_ = 	snop  }
0x6: {  	_ = 	snop  }
0x7: {  	_ = 	snop  }
__scs_overlays_trampoline_lowered:
0x8: {  	[smem:$0x3FA8] =	sst s0  }
0x9: {  	[smem:$0x3FA9] =	sst s1  }
0xa: {  	[smem:$0x3FAA] =	sst s2  }
0xb: {  	[smem:$0x3FAB] =	sst s3  }
0xc: {  	[smem:$0x3FAC] =	sst s4  }
0xd: {  	[smem:$0x3FAD] =	sst s5  }
0xe: {  	[smem:$0x3FAE] =	sst s6  }
0xf: {  	[smem:$0x3FAF] =	sst s7  }
0x10: {  	[smem:$0x3FB0] =	sst s8  }
0x11: {  	[smem:$0x3FB1] =	sst s9;
	s0 =	simm.s32 @!p0 $0x0  }
0x12: {  	s1 =	sld [smem:$0x3F97];
	s0 =	simm.s32 @p0 $0x1  }
0x13: {  	[smem:$0x3FB2] =	sst s0;
	s0 =	simm.s32 @!p1 $0x0  }
0x14: {  	s2 =	sld [smem:$0x3F96];
	s0 =	simm.s32 @p1 $0x1  }
0x15: {  	[smem:$0x3FB3] =	sst s0;
	s0 =	simm.s32 @!p2 $0x0  }
0x16: {  	s3 =	sld [smem:$0x3FDB];
	s0 =	simm.s32 @p2 $0x1  }
0x17: {  	s4 =	simm.s32 $0x1BF5;
	[smem:$0x3FB5] =	sst s0  }
0x18: {  	s0 =	sld [smem:$0x3F98];
	_ =	swait.ge [sflag:s4], $0x0  }
0x19: {  	s7 =	sld [smem:$0x3F99]  }
0x1a: {  	s8 =	sadd.s32 $0xFFFFE003, lr  }
0x1b: {  	s9 =	sadd.s32 $0xFFFFFEF7, lr;
	s5 =	simm.s32 $0xFFFFFFFF;
	p2 =	slt.u32 s8, $0xFFFFF086  }
0x1c: {  	p1 =	slt.u32 s9, $0xF7A;
	s5 =	simm.s32 @!p2 $0x0  }
0x1d: {  	s5 =	simm.s32 @p1 $0x1;
	p0 =	seq.s32 s7, s2  }
0x1e: {  	s7 =	smul.u32 @!p0 $0xF7A, s2;
	p2 =	seq.s32 @!p0 s5, $0x0  }
0x1f: {  	s9 =	smul.u32 $0xF7A, s1;
	s8 =	simm.s32 @!p0 $0x1BF5;
	p2 =	por !p2, p0  }
0x20: {  	[sflag:s8] =	ssyncset.s32 @!p0 $0xFFFFF086;
	s6 =	sadd.s32 @!p0 s3, s7;
	s7 =	simm.s32 @!p0 $0x108  }
0x21: {  	s3 =	sadd.s32 s3, s9;
	s6 =	sadd.s32 @!p0 $0x88, s6;
	s7 =	simm.s32 @p2 $0x1082  }
0x22: {  	[simem:s7], [sflag:s8] =	dma.local @!p0 [hbm:s6], $0xF7A  }
0x23: {  	s9 =	sor.u32 $0xD0000000, s2;
	s6 =	simm.s32 $0x108;
	_ =	swait.ge @!p0 [sflag:s8], $0x0  }
0x24: {  	s3 =	sadd.s32 $0x88, s3;
	s6 =	simm.s32 @!p1 $0x1082;
	[sflag:s4] =	ssyncset.s32 $0xFFFFF086  }
0x25: {  	[simem:s6], [sflag:s4] =	dma.local [hbm:s3], $0xF7A  }
0x26: {  	[smem:$0x3F99] =	sst s1;
	(tag) =	ssettag s2;
	_ =	strace s9  }
0x27: {  	s1 =	sld [smem:$0x3FA9]  }
0x28: {  	s2 =	sld [smem:$0x3FAA]  }
0x29: {  	s4 =	sld [smem:$0x3FAC]  }
0x2a: {  	p0 =	seq.s32 s5, $0x0;
	s5 =	sld [smem:$0x3FAD]  }
0x2b: {  	s6 =	sld [smem:$0x3FAE]  }
0x2c: {  	s7 =	sld [smem:$0x3FAF]  }
0x2d: {  	s3 =	simm.s32 $0x108;
	s8 =	sld [smem:$0x3FB0]  }
0x2e: {  	s3 =	simm.s32 @!p0 $0x1082;
	s9 =	sld [smem:$0x3FB1]  }
0x2f: {  	lr =	sadd.s32 s0, s3;
	s0 =	sld [smem:$0x3FA8]  }
0x30: {  	s3 =	sld [smem:$0x3FAB]  }
0x31: {  	[smem:$0x3FB4] =	sst s10  }
0x32: {  	s10 =	sld [smem:$0x3FB2];
	_ =	sdelay $0x3  }
0x33: {  	p0 =	seq.s32 s10, $0x1;
	s10 =	sld [smem:$0x3FB4];
	_ =	sdelay $0x3  }
0x34: {  	[smem:$0x3FB4] =	sst s10  }
0x35: {  	s10 =	sld [smem:$0x3FB3];
	_ =	sdelay $0x3  }
0x36: {  	p1 =	seq.s32 s10, $0x1;
	s10 =	sld [smem:$0x3FB4];
	_ =	sdelay $0x3  }
0x37: {  	[smem:$0x3FB4] =	sst s10  }
0x38: {  	s10 =	sld [smem:$0x3FB5]  }
0x39: {  	_ = 	snop;
	(pc) =	sbr.ind lr, $3  }
0x3a: {  	_ = 	snop  }
0x3b: {  	_ = 	snop  }
0x3c: {  	p2 =	seq.s32 s10, $0x1;
	s10 =	sld [smem:$0x3FB4]  }
0x3d: {  	_ =	shalt  }
0x3e: {  	_ =	shalt  }
0x3f: {  	_ =	shalt  }
0x40: {  	_ =	shalt  }
0x41: {  	_ =	shalt  }
0x42: {  	_ =	shalt  }
0x43: {  	_ =	shalt  }
0x44: {  	_ =	shalt  }
0x45: {  	_ =	shalt  }
0x46: {  	_ =	shalt  }
0x47: {  	_ =	shalt  }
0x48: {  	_ =	shalt  }
0x49: {  	_ =	shalt  }
0x4a: {  	_ =	shalt  }
0x4b: {  	_ =	shalt  }
0x4c: {  	_ =	shalt  }
0x4d: {  	_ =	shalt  }
0x4e: {  	_ =	shalt  }
0x4f: {  	_ =	shalt  }
0x50: {  	_ =	shalt  }
0x51: {  	_ =	shalt  }
0x52: {  	_ =	shalt  }
0x53: {  	_ =	shalt  }
0x54: {  	_ =	shalt  }
0x55: {  	_ =	shalt  }
0x56: {  	_ =	shalt  }
0x57: {  	_ =	shalt  }
0x58: {  	_ =	shalt  }
0x59: {  	_ =	shalt  }
0x5a: {  	_ =	shalt  }
0x5b: {  	_ =	shalt  }
0x5c: {  	_ =	shalt  }
0x5d: {  	_ =	shalt  }
0x5e: {  	_ =	shalt  }
0x5f: {  	_ =	shalt  }
0x60: {  	_ =	shalt  }
0x61: {  	_ =	shalt  }
0x62: {  	_ =	shalt  }
0x63: {  	_ =	shalt  }
0x64: {  	_ =	shalt  }
0x65: {  	_ =	shalt  }
0x66: {  	_ =	shalt  }
0x67: {  	_ =	shalt  }
0x68: {  	_ =	shalt  }
0x69: {  	_ =	shalt  }
0x6a: {  	_ =	shalt  }
0x6b: {  	_ =	shalt  }
0x6c: {  	_ =	shalt  }
0x6d: {  	_ =	shalt  }
0x6e: {  	_ =	shalt  }
0x6f: {  	_ =	shalt  }
0x70: {  	_ =	shalt  }
0x71: {  	_ =	shalt  }
0x72: {  	_ =	shalt  }
0x73: {  	_ =	shalt  }
0x74: {  	_ =	shalt  }
0x75: {  	_ =	shalt  }
0x76: {  	_ =	shalt  }
0x77: {  	_ =	shalt  }
0x78: {  	_ =	shalt  }
0x79: {  	_ =	shalt  }
0x7a: {  	_ =	shalt  }
0x7b: {  	_ =	shalt  }
0x7c: {  	_ =	shalt  }
0x7d: {  	_ =	shalt  }
0x7e: {  	_ =	shalt  }
0x7f: {  	_ =	shalt  }
0x80: {  	_ =	shalt  }
0x81: {  	_ =	shalt  }
0x82: {  	_ =	shalt  }
0x83: {  	_ =	shalt  }
0x84: {  	_ =	shalt  }
0x85: {  	_ =	shalt  }
0x86: {  	_ =	shalt  }
0x87: {  	_ =	shalt  }
.Lfunc_end0:
.L_simem_size_0:
called_computation_lowered:
.L_overlay_start_0:
0x88: {  	s2 =	sld [smem:$0x3FD9]  }
0x89: {  	s3 =	sld [smem:$0x3FFE];
	_ =	sdelay $0x1  }
0x8a: {  	s1 =	srdreg.scid  }
0x8b: {  	s0 =	sand.u32 $0x1, s1  }
0x8c: {  	s14 =	sshll.u32 s0, $0xA;
	s2 =	sadd.s32 s3, s2  }
0x8d: {  	s2 =	sadd.s32 s2, s14  }
0x8e: {  	[smem:$0x3FC0] =	sst s2  }
0x8f: {  	_ = 	snop  }
0x90: {  	s2 =	sld [smem:$0x3FD0];
	_ =	sdelay $0x2  }
0x91: {  	s15 =	simm.s32 $0xA;
	s4 =	simm.s32 $0x10  }
0x92: {  	[smem:s4], [sflag:s15] =	dma.local [hbm:s2], $0x1  }
0x93: {  	_ =	swait.eq [sflag:s15], $0x1  }
0x94: {  	[sflag:s15] =	ssyncset.done $0x0  }
0x95: {  	[sflag:s15] =	ssyncadd.s32 $0xFFFFFFFF  }
0x96: {  	s16 =	sld [smem:$0x12];
	(tm) =	ssettm $0x1  }
0x97: {  	s17 =	sld [smem:$0x3FFB];
	_ =	sdelay $0x3  }
0x98: {  	_ =	strace s17  }
0x99: {  	s3 =	sld [smem:$0x3FFC];
	_ =	sdelay $0x3  }
0x9a: {  	_ =	strace s3  }
0x9b: {  	s3 =	sld [smem:$0x3FFD];
	_ =	sdelay $0x3  }
0x9c: {  	_ =	strace s3  }
0x9d: {  	_ =	strace $0x8FFFFFFF  }
0x9e: {  	s18 =	sld [smem:$0x3FDB];
	_ =	sdelay $0x1  }
0x9f: {  	s19 =	simm.s32 $_scs_section_size  }
0xa0: {  	s5 =	simm.s32 $_size__tile_overlayer_lowered;
	s6 =	simm.s32 $_tile_overlayer_lowered  }
0xa1: {  	s22 =	simm.s32 $0x1BFF;
	s21 =	sshll.u32 s6, $0x1;
	s3 =	sadd.s32 s19, s18  }
0xa2: {  	s7 =	simm.s32 $0x0;
	s20 =	sshll.u32 s5, $0x1;
	s5 =	sadd.s32 s21, s3  }
0xa3: {  	[timem:s7], [sflag:s22] =	dma.local [hbm:s5], s20  }
0xa4: {  	_ =	swait.ge [sflag:s22], s20  }
0xa5: {  	s4 =	ssub.s32 $0x0, s20;
	[sflag:s22] =	ssyncset.done $0x0  }
0xa6: {  	[sflag:s22] =	ssyncadd.s32 s4;
	_ =	sdelay $0x1  }
0xa7: {  	s23 =	simm.s32 $0x1B8B  }
0xa8: {  	_ =	swait.ge [sflag:s23], $0x1  }
0xa9: {  	[sflag:s23] =	ssyncset.done $0x0  }
0xaa: {  	s25 =	simm.s32 $0x1B8E;
	s24 =	sld [smem:$0x3FFE];
	[sflag:s23] =	ssyncadd.s32 $0xFFFFFFFF  }
0xab: {  	s26 =	simm.s32 $execute0_lowered;
	[smem:$0x3FD2] =	sst s25  }
0xac: {  	s5 =	sshll.u32 s26, $0x1;
	_ =	strace $0x80000046;
	[dreg:$0x1] =	wrdreg $0xFFFFFFFF  }
0xad: {  	s28 =	simm.s32 $_size_execute0_lowered;
	s3 =	sadd.s32 s3, s5;
	[dreg:$0x0] =	wrdreg $0x0  }
0xae: {  	s5 =	sshll.u32 s28, $0x1;
	[dreg:$0x2] =	wrdreg s3  }
0xaf: {  	[dreg:$0x3] =	wrdreg s5  }
0xb0: {  	[dreg:$0x4] =	wrdreg $0xC0  }
0xb1: {  	_ =	task [dreg:s7], $0x5FFFF  }
0xb2: {  	[dreg:$0x1] =	wrdreg $0xFFFFFFFF  }
0xb3: {  	[dreg:$0x0] =	wrdreg $0x60  }
0xb4: {  	[dreg:$0x2] =	wrdreg s24  }
0xb5: {  	[dreg:$0x3] =	wrdreg s16  }
0xb6: {  	[dreg:$0x4] =	wrdreg $0x9  }
0xb7: {  	_ =	task.clear_ibuf [dreg:s7], $0x5FFFF;
	_ =	strace $0x90000046  }
0xb8: {  	s29 =	simm.s32 $0x9;
	_ =	strace $0x80000048  }
0xb9: {  	_ =	swait.ge [sflag:s29], $0x1  }
0xba: {  	[sflag:s29] =	ssyncadd.s32 $0xFFFFFFFF  }
0xbb: {  	_ =	strace $0x90000048  }
0xbc: {  	_ =	sfence  }
0xbd: {  	s30 =	sld [smem:$0x0];
	_ =	sdelay $0x2  }
0xbe: {  	s31 =	sshll.u32 s1, $0xD;
	s1 =	sshrl.u32 s1, $0x2  }
0xbf: {  	s3 =	sand.u32 $0x4000, s31;
	s1 =	sadd.s32 s1, s30  }
0xc0: {  	s0 =	sor.u32 s3, s0;
	s1 =	sshll.u32 s1, $0x11  }
0xc1: {  	s0 =	sor.u32 s1, s0  }
0xc2: {  	s0 =	sadd.s32 $0x8F2B, s0  }
0xc3: {  	[sflag:s0] =	ssyncadd.remote.s32 $0x1  }
0xc4: {  	_ =	sfence.sel $0xFFFF  }
0xc5: {  	[dreg:$0x0] =	wrdreg $0xFFFFFFFF;
	(pc) =	sbr.abs _section_cstart, $3  }
0xc6: {  	[dreg:$0x1] =	wrdreg $0xFFFFFFFF  }
0xc7: {  	_ =	task.clear_ibuf [dreg:s7], $0x2FFFF;
	_ =	strace $0x9FFFFFFF  }
0xc8: {  	(tm) =	ssettm $0x7FFFFFFF  }
0xc9: {  	_ =	shalt  }
tec
execute0_lowered:
.L_overlay_start_1:
0x0: {  	(tag) =	ssettag $0x1  }
0x1: {  	s7 =	rddreg [dreg:$0x0]  }
0x2: {  	s1 =	rddreg [dreg:$0x1]  }
0x3: {  	s0 =	rddreg [dreg:$0x2];
	s2 =	simm.s32 $0x0;
	s3 =	srdreg.scid  }
0x4: {  	s12 =	simm.s32 $0x1;
	s13 =	simm.s32 $0xF80;
	s14 =	simm.s32 $0x200  }
0x5: {  	s15 =	simm.s32 $0x4E00;
	s16 =	simm.s32 $0x9C00;
	s17 =	simm.s32 $0xEA00  }
0x6: {  	s18 =	simm.s32 $0x0;
	[smem:$0x7FF] =	sst s2;
	s8 =	sand.u32 $0x1, s3  }
0x7: {  	s4 =	sadd.s32 $0x4800, s7;
	s3 =	stileid.u32;
	s5 =	sadd.s32 $0xD400, s7  }
0x8: {  	s6 =	sadd.s32 $0x30800, s7;
	s7 =	sadd.s32 $0x2000, s7;
	s9 =	ssub.s32 $0x2, s8  }
0x9: {  	_ =	strace $0x80000047;
	s11 =	sshll.u32 s3, $0x1;
	s10 =	sshrl.u32 s9, $0x1  }
0xa: {  	s8 =	sor.u32 s8, s11;
	s11 =	simm.s32 $0x400;
	s9 =	ssub.s32 s9, s10  }
0xb: {  	s8 =	smul.u32 $0x9, s8;
	s10 =	simm.s32 $0x80;
	s9 =	smax.u32 s9, $0x1  }
.LBB2_1:
0xc: {  	s19 =	simm.s32 $0x0  }
.LBB2_2:
0xd: {  	s23 =	sadd.s32 s8, s19  }
0xe: {  	s20 =	sshrl.u32 s23, $0x5  }
0xf: {  	s22 =	sshll.u32 s23, $0x5;
	s21 =	smul.u32 $0x7C00, s20  }
0x10: {  	s22 =	sand.u32 $0x380, s22  }
0x11: {  	s21 =	sor.u32 s21, s22  }
0x12: {  	s21 =	sshrl.u32 s21, $0x3  }
0x13: {  	s24 =	simm.s32 $0x0;
	s20 =	smul.u32 $0x1F400, s20;
	s21 =	sadd.s32 s4, s21  }
0x14: {  	[tilespmem:s24], [sflag:$0x1] =	stream.strided.gather [hbm4b:s21+s10], $0xF80, s11, s10, $0x38;
	[tilespmem:$0x13800] =	vst v63  }
0x15: {  	s20 =	sor.u32 s20, s22;
	_ =	swait.ge [sflag:s12], $0xF80  }
0x16: {  	s20 =	sshrl.u32 s20, $0x3;
	[sflag:s12] =	ssyncset.done $0x0  }
0x17: {  	s29 =	sshll.u32 s23, $0x7;
	s20 =	sadd.s32 s5, s20;
	[sflag:s12] =	ssyncadd.s32 $0xFFFFF080  }
0x18: {  	[tilespmem:s13], [sflag:$0x1] =	stream.strided.gather [hbm4b:s20+s10], $0x3E80, s11, s10, $0x38;
	[tilespmem:$0x13800] =	vst v63  }
0x19: {  	s20 =	sand.u32 $0x180, s29;
	_ =	swait.ge [sflag:s12], $0x3E80  }
0x1a: {  	s30 =	sshrl.u32 s20, $0x3;
	[sflag:s12] =	ssyncset.done $0x0  }
0x1b: {  	s31 =	sadd.s32 s6, s30;
	[sflag:s12] =	ssyncadd.s32 $0xFFFFC180  }
0x1c: {  	[tilespmem:s15], [sflag:$0x1] =	stream.strided.gather [hbm4b:s31+s10], $0x4E00, s14, s10, $0x38;
	[tilespmem:$0x13800] =	vst v63  }
0x1d: {  	_ =	swait.ge [sflag:s12], $0x4E00  }
0x1e: {  	[sflag:s12] =	ssyncset.done $0x0  }
0x1f: {  	s21 =	sadd.s32 s7, s30;
	[sflag:s12] =	ssyncadd.s32 $0xFFFFB200  }
0x20: {  	[tilespmem:s16], [sflag:$0x1] =	stream.strided.gather [hbm4b:s21+s10], $0x4E00, s14, s10, $0x38;
	[tilespmem:$0x13800] =	vst v63  }
0x21: {  	_ =	swait.ge [sflag:s12], $0x4E00  }
0x22: {  	[sflag:s12] =	ssyncset.done $0x0  }
0x23: {  	s21 =	simm.s32 $0x0;
	[sflag:s12] =	ssyncadd.s32 $0xFFFFB200  }
0x24: {  	v0 =	vld [tilespmem:s21+$0x9C00]  }
0x25: {  	v1 =	vld [tilespmem:s21+$0x4E00];
	_ =	sdelay $0x6  }
0x26: {  	v0 =	vld.idx.msk [tilespmem:v0+s13+$0x0], $0xffff  }
0x27: {  	s22 =	simm.s32 $0x10;
	v2 =	vld.idx.msk [tilespmem:v1+s2+$0x0], $0xffff  }
0x28: {  	s23 =	sshrl.u32 s23, $0x2;
	s24 =	simm.s32 $0x80;
	v1 =	vld [tilespmem:s22+$0x9C00]  }
.LBB2_3:
0x29: {  	p0 =	sne.s32 s24, $0x13640;
	v3 =	vld [tilespmem:s22+$0x4E00];
	_ =	sdelay $0x3  }
0x2a: {  	v0 =	vsub.f32 v0, v2  }
.Ltmp0:
0x2b: {  	(pc) =	sbr.rel @p0 .LBB2_3-.Ltmp0, $4  }
0x2c: {  	[tilespmem:s21+$0xEA00] =	vst v0;
	s21 =	smov.u32 s22  }
0x2d: {  	v0 =	vld.idx.msk [tilespmem:v1+s13+$0x0], $0xffff  }
0x2e: {  	s22 =	sshra.s32 s24, $0x2;
	v2 =	vld.idx.msk [tilespmem:v3+s2+$0x0], $0xffff  }
0x2f: {  	s24 =	sadd.s32 $0x40, s24;
	v1 =	vld [tilespmem:s22+$0x9C00]  }
0x30: {  	_ = 	snop  }
0x31: {  	v3 =	vld [tilespmem:s22+$0x4E00];
	_ =	sdelay $0x3  }
0x32: {  	v0 =	vsub.f32 v0, v2;
	_ =	sdelay $0x1  }
0x33: {  	[tilespmem:s21+$0xEA00] =	vst v0  }
0x34: {  	v0 =	vld.idx.msk [tilespmem:v1+s13+$0x0], $0xffff  }
0x35: {  	v63 =	vld.idx.msk [tilespmem:v3+s2+$0x0], $0xffff;
	_ =	sdelay $0x2  }
0x36: {  	s31 =	smul.u32 $0x13800, s23;
	_ =	sdelay $0x1  }
0x37: {  	s19 =	sadd.s32 $0x1, s19;
	s20 =	sor.u32 s20, s31;
	v0 =	vsub.f32 v0, v63  }
0x38: {  	p0 =	sne.s32 s19, $0x9;
	s20 =	sshrl.u32 s20, $0x3  }
.Ltmp1:
0x39: {  	s20 =	sadd.s32 s1, s20;
	[tilespmem:s22+$0xEA00] =	vst v0;
	(pc) =	sbr.rel @p0 .LBB2_2-.Ltmp1, $4  }
0x3a: {  	[hbm4b:s20+s10] =	stream.strided.scatter [tilespmem:s17], [sflag:$0x1], $0x4E00, s14, s10, $0x38;
	[tilespmem:$0x13800] =	vst v63  }
0x3b: {  	_ =	swait.ge [sflag:s12], $0x4E00  }
0x3c: {  	[sflag:s12] =	ssyncset.done $0x0  }
0x3d: {  	[sflag:s12] =	ssyncadd.s32 $0xFFFFB200  }
0x3e: {  	s18 =	sadd.s32 $0x1, s18  }
0x3f: {  	p0 =	sne.s32 s18, s9  }
.Ltmp2:
0x40: {  	_ = 	snop;
	(pc) =	sbr.rel @p0 .LBB2_1-.Ltmp2, $1  }
0x41: {  	_ =	sdelay $0x3  }
0x42: {  	_ =	sfence.sel $0x180000  }
0x43: {  	[bflag:$0x0] =	sbarrier.arrive $0xFFFF  }
0x44: {  	p0 =	sne.s32 s3, $0x0;
	_ =	strace $0x90000047  }
0x45: {  	s0 =	sadd.s32 @!p0 $0x100000, s0;
	[bflag:$0x2] =	sbarrier.arrive $0xFFFF  }
0x46: {  	[sflag:s0] =	ssyncadd.tile.s32 @!p0 $0x1;
	_ =	shalt  }
.Lfunc_end2:
_tile_overlayer_lowered:
.L_overlay_start_2:
0x47: {  	(tag) =	ssettag $0x2  }
0x48: {  	s0 =	rddreg [dreg:$0x0];
	s2 =	stileid.u32  }
0x49: {  	s1 =	rddreg [dreg:$0x1];
	p0 =	sne.s32 s2, $0x0  }
0x4a: {  	s3 =	rddreg [dreg:$0x2];
	[bflag:$0x3] =	sbarrier.arrive $0xFFFF;
	s2 =	simm.s32 @!p0 $0x1C01  }
0x4b: {  	[timem:s3], [sflag:s2] =	dma.local @!p0 [hbm:s0], s1  }
0x4c: {  	s0 =	simm.s32 @!p0 $0x1  }
0x4d: {  	_ =	swait.ge @!p0 [sflag:s0], s1  }
0x4e: {  	s1 =	ssub.s32 @!p0 $0x0, s1;
	[sflag:s0] =	ssyncset.done @!p0 $0x0  }
0x4f: {  	[sflag:s0] =	ssyncadd.s32 @!p0 s1  }
0x50: {  	[bflag:$0x3] =	sbarrier.arrive $0xFFFF  }
0x51: {  	_ =	shalt  }

</sc_bundles>
